<compile_context>
chip_gen: v7x
topology: tpu7x:2x2x1
jax: 0.10.2.dev20260603
libtpu: 0.0.44.dev20260713+nightly
codegen_flags: <defaults>
</compile_context>

<pallas_src>
import jax
import jax.numpy as jnp
from jax import lax
from jax.experimental import pallas as pl
from jax.experimental.pallas import tpu as pltpu
from jax.experimental.pallas import tpu_sc as plsc

VOCAB = 100000
D_MODEL = 1024
BATCH = 4
SEQ_LEN = 2048

NUM_CORES = 2
NUM_SUBCORES = 16
NW = NUM_CORES * NUM_SUBCORES
B_TOTAL = BATCH * SEQ_LEN
B_PER_W = B_TOTAL // NW
W_PER_B = NW // BATCH
CHUNK = 32
NCHUNK = B_PER_W // CHUNK
NBUF = 2
NLOOP = NCHUNK // NBUF


def _emb_body(tok_hbm, table_hbm, out_hbm, idx_v, *rest):
    bufs = rest[:NBUF]
    gsem, ssem = rest[NBUF:]
    wid = lax.axis_index("s") * NUM_CORES + lax.axis_index("c")
    b = wid // W_PER_B
    off = (wid % W_PER_B) * B_PER_W
    HALF = B_PER_W // 2
    pltpu.sync_copy(tok_hbm.at[b, pl.ds(off, HALF)], idx_v.at[pl.ds(0, HALF)])

    def gather_start(c, bi):
        pltpu.make_async_copy(
            table_hbm.at[idx_v.at[pl.ds(c * CHUNK, CHUNK)]], bufs[bi], gsem).start()

    def gather_wait(bi):
        pltpu.make_async_copy(
            table_hbm.at[idx_v.at[pl.ds(0, CHUNK)]], bufs[bi], gsem).wait()

    def scatter_start(c, bi):
        pltpu.make_async_copy(
            bufs[bi], out_hbm.at[b, pl.ds(off + c * CHUNK, CHUNK)], ssem).start()

    def scatter_wait(bi):
        pltpu.make_async_copy(
            bufs[bi], out_hbm.at[b, pl.ds(off, CHUNK)], ssem).wait()

    gather_start(0, 0)
    pltpu.sync_copy(tok_hbm.at[b, pl.ds(off + HALF, B_PER_W - HALF)],
                    idx_v.at[pl.ds(HALF, B_PER_W - HALF)])
    for bi in range(1, NBUF):
        gather_start(bi, bi)

    @pl.loop(0, NLOOP)
    def _outer(g):
        for bi in range(NBUF):
            c = g * NBUF + bi
            gather_wait(bi)
            scatter_start(c, bi)

            @pl.when(g < NLOOP - 1)
            def _refill():
                scatter_wait(bi)
                gather_start(c + NBUF, bi)

    for bi in range(NBUF):
        scatter_wait(bi)


@jax.jit
def _embedding_lookup(tokens, table):
    mesh = plsc.VectorSubcoreMesh(core_axis_name="c", subcore_axis_name="s")
    run = pl.kernel(
        _emb_body,
        out_type=jax.ShapeDtypeStruct((BATCH, SEQ_LEN, D_MODEL), jnp.float32),
        mesh=mesh,
        scratch_types=(
            [pltpu.VMEM((B_PER_W,), jnp.int32)]
            + [pltpu.VMEM((CHUNK, D_MODEL), jnp.float32) for _ in range(NBUF)]
            + [pltpu.SemaphoreType.DMA, pltpu.SemaphoreType.DMA]
        ),
    )
    return run(tokens, table)


def kernel(tokens, embedding_weight):
    return _embedding_lookup(tokens.astype(jnp.int32), embedding_weight)

# --- scband reference (transcript-rebuilt; emitter-appended) ---
"""Pipeline reference for scband-token-embeddings-65420941853337 (READ-ONLY COPY).

The authoritative reference and input builder live on the scoring server;
editing this copy changes nothing except your own understanding.
"""

import jax, jax.numpy as jnp
import numpy as np

VOCAB_SIZE = 100000
D_MODEL = 1024
BATCH = 4
SEQ_LEN = 2048

def setup_inputs(seed: int = 0) -> dict:
    key = jax.random.key(seed)
    k_tok, k_emb = jax.random.split(key)
    tokens = jax.random.randint(k_tok, (BATCH, SEQ_LEN), 0, VOCAB_SIZE, dtype=jnp.int64 if jax.config.jax_enable_x64 else jnp.int32)
    embedding_weight = 0.02 * jax.random.normal(k_emb, (VOCAB_SIZE, D_MODEL), dtype=jnp.float32)
    return {"tokens": tokens, "embedding_weight": embedding_weight}

def reference(tokens, embedding_weight):
    # nn.Embedding lookup: gather rows of the table by token id.
    # Dropout with p=0.0 (or eval mode) is the identity, so omitted.
    embeddings = jnp.take(embedding_weight, tokens, axis=0)
    return embeddings

if __name__ == "__main__":
    import jax
    _d = setup_inputs()
    print(jax.jit(kernel)(*tuple(_d.values())))

</pallas_src>

<mosaic_0001>
#map = affine_map<(d0, d1) -> (0, 0)>
#map1 = affine_map<(d0, d1) -> (0, 0, 0)>
module attributes {stable_mosaic.version = 14 : i64} {
  func.func @_emb_body(%arg0: i32, %arg1: i32, %arg2: memref<4x2048xi32, #tpu.memory_space<hbm>>, %arg3: memref<100000x1024xf32, #tpu.memory_space<hbm>>, %arg4: memref<4x2048x1024xf32, #tpu.memory_space<hbm>>, %arg5: memref<256xi32, #tpu.memory_space<vmem>>, %arg6: memref<32x1024xf32, #tpu.memory_space<vmem>>, %arg7: memref<32x1024xf32, #tpu.memory_space<vmem>>, %arg8: memref<!tpu.dma_semaphore, #tpu.memory_space<semaphore_mem>>, %arg9: memref<!tpu.dma_semaphore, #tpu.memory_space<semaphore_mem>>) attributes {dimension_semantics = [#tpu.dimension_semantics<core_parallel>, #tpu.dimension_semantics<subcore_parallel>], iteration_bounds = array<i64: 2, 16>, scalar_prefetch = 0 : i64, scratch_operands = 5 : i64, tpu.core_type = #tpu.core_type<sc_vector_subcore>, window_params = [{transform_indices = #map}, {transform_indices = #map}, {transform_indices = #map1}]} {
    %mul3A = arith.constant 2 : i32
    %mul3A_0 = arith.muli %arg1, %mul3A : i32
    %add3A = arith.addi %mul3A_0, %arg0 : i32
    %jit3A = arith.constant 8 : i32
    %div3A = arith.divsi %add3A, %jit3A : i32
    %sign3A = arith.constant 0 : i32
    %sign3A_1 = arith.cmpi sgt, %add3A, %sign3A : i32
    %sign3A_2 = arith.extui %sign3A_1 : i1 to i32
    %sign3A_3 = arith.constant 0 : i32
    %sign3A_4 = arith.cmpi slt, %add3A, %sign3A_3 : i32
    %sign3A_5 = arith.extui %sign3A_4 : i1 to i32
    %sign3A_6 = arith.subi %sign3A_2, %sign3A_5 : i32
    %sign3A_7 = arith.constant 0 : i32
    %sign3A_8 = arith.cmpi sgt, %jit3A, %sign3A_7 : i32
    %sign3A_9 = arith.extui %sign3A_8 : i1 to i32
    %sign3A_10 = arith.constant 0 : i32
    %sign3A_11 = arith.cmpi slt, %jit3A, %sign3A_10 : i32
    %sign3A_12 = arith.extui %sign3A_11 : i1 to i32
    %sign3A_13 = arith.subi %sign3A_9, %sign3A_12 : i32
    %ne3A = arith.cmpi ne, %sign3A_6, %sign3A_13 : i32
    %rem3A = arith.remsi %add3A, %jit3A : i32
    %ne3A_14 = arith.constant 0 : i32
    %ne3A_15 = arith.cmpi ne, %rem3A, %ne3A_14 : i32
    %and3A = arith.andi %ne3A, %ne3A_15 : i1
    %sub3A = arith.constant 1 : i32
    %sub3A_16 = arith.subi %div3A, %sub3A : i32
    %select_n3A = arith.select %and3A, %sub3A_16, %div3A : i32
    %jit3A_17 = arith.constant 8 : i32
    %eq3A = arith.constant 0 : i32
    %eq3A_18 = arith.cmpi eq, %jit3A_17, %eq3A : i32
    %jit3A_19 = arith.constant 1 : i32
    %select_n3A_20 = arith.select %eq3A_18, %jit3A_19, %jit3A_17 : i32
    %rem3A_21 = arith.remsi %add3A, %select_n3A_20 : i32
    %ne3A_22 = arith.constant 0 : i32
    %ne3A_23 = arith.cmpi ne, %rem3A_21, %ne3A_22 : i32
    %lt3A = arith.constant 0 : i32
    %lt3A_24 = arith.cmpi slt, %rem3A_21, %lt3A : i32
    %lt3A_25 = arith.constant 0 : i32
    %lt3A_26 = arith.cmpi slt, %select_n3A_20, %lt3A_25 : i32
    %ne3A_27 = arith.xori %lt3A_24, %lt3A_26 : i1
    %and3A_28 = arith.andi %ne3A_27, %ne3A_23 : i1
    %add3A_29 = arith.addi %rem3A_21, %select_n3A_20 : i32
    %select_n3A_30 = arith.select %and3A_28, %add3A_29, %rem3A_21 : i32
    %mul3A_31 = arith.constant 256 : i32
    %mul3A_32 = arith.muli %select_n3A_30, %mul3A_31 : i32
    "tpu.region"() ({
      %run_scoped3A = tpu.sem_alloc : memref<!tpu.dma_semaphore, #tpu.memory_space<semaphore_mem>>
      %dma_start3A_59 = arith.constant 0 : i32
      %dma_start3A_60 = tpu.memref_slice %arg5[%dma_start3A_59] : memref<256xi32, #tpu.memory_space<vmem>> -> memref<128xi32, #tpu.memory_space<vmem>>
      %dma_start3A_61 = tpu.memref_slice %arg2[%select_n3A, %mul3A_32] : memref<4x2048xi32, #tpu.memory_space<hbm>> -> memref<1x128xi32, #tpu.memory_space<hbm>>
      %dma_start3A_62 = tpu.memref_squeeze %dma_start3A_61 : memref<1x128xi32, #tpu.memory_space<hbm>> -> memref<128xi32, #tpu.memory_space<hbm>>
      %dma_start3A_63 = arith.constant 0 : i32
      %dma_start3A_64 = tpu.memref_slice %arg5[%dma_start3A_63] : memref<256xi32, #tpu.memory_space<vmem>> -> memref<128xi32, #tpu.memory_space<vmem>>
      %dma_start3A_65 = tpu.memref_slice %arg2[%select_n3A, %mul3A_32] : memref<4x2048xi32, #tpu.memory_space<hbm>> -> memref<1x128xi32, #tpu.memory_space<hbm>>
      %dma_start3A_66 = tpu.memref_squeeze %dma_start3A_65 : memref<1x128xi32, #tpu.memory_space<hbm>> -> memref<128xi32, #tpu.memory_space<hbm>>
      tpu.enqueue_dma source(%dma_start3A_66 : memref<128xi32, #tpu.memory_space<hbm>>) target(%dma_start3A_64 : memref<128xi32, #tpu.memory_space<vmem>>) target_semaphore(%run_scoped3A : memref<!tpu.dma_semaphore, #tpu.memory_space<semaphore_mem>>)
      %dma_wait3A_67 = arith.constant 0 : i32
      %dma_wait3A_68 = tpu.memref_slice %arg5[%dma_wait3A_67] : memref<256xi32, #tpu.memory_space<vmem>> -> memref<128xi32, #tpu.memory_space<vmem>>
      %dma_wait3A_69 = tpu.memref_slice %arg2[%select_n3A, %mul3A_32] : memref<4x2048xi32, #tpu.memory_space<hbm>> -> memref<1x128xi32, #tpu.memory_space<hbm>>
      %dma_wait3A_70 = tpu.memref_squeeze %dma_wait3A_69 : memref<1x128xi32, #tpu.memory_space<hbm>> -> memref<128xi32, #tpu.memory_space<hbm>>
      %dma_wait3A_71 = arith.constant 0 : i32
      %dma_wait3A_72 = tpu.memref_slice %arg5[%dma_wait3A_71] : memref<256xi32, #tpu.memory_space<vmem>> -> memref<128xi32, #tpu.memory_space<vmem>>
      %dma_wait3A_73 = tpu.memref_slice %arg2[%select_n3A, %mul3A_32] : memref<4x2048xi32, #tpu.memory_space<hbm>> -> memref<1x128xi32, #tpu.memory_space<hbm>>
      %dma_wait3A_74 = tpu.memref_squeeze %dma_wait3A_73 : memref<1x128xi32, #tpu.memory_space<hbm>> -> memref<128xi32, #tpu.memory_space<hbm>>
      tpu.wait_dma2 semaphore(%run_scoped3A : memref<!tpu.dma_semaphore, #tpu.memory_space<semaphore_mem>>) src(%dma_wait3A_74 : memref<128xi32, #tpu.memory_space<hbm>>) dst(%dma_wait3A_72 : memref<128xi32, #tpu.memory_space<vmem>>)
      tpu.yield
    }) : () -> ()
    %dma_start3A = arith.constant 0 : i32
    %dma_start3A_33 = tpu.memref_slice %arg5[%dma_start3A] : memref<256xi32, #tpu.memory_space<vmem>> -> memref<32xi32, #tpu.memory_space<vmem>>
    %dma_start3A_34 = arith.constant 0 : i32
    %dma_start3A_35 = arith.constant 0 : i32
    %dma_start3A_36 = tpu.memref_slice %arg3[%dma_start3A_34, %dma_start3A_35] : memref<100000x1024xf32, #tpu.memory_space<hbm>> -> memref<100000x1024xf32, #tpu.memory_space<hbm>>
    tpu.enqueue_indirect_dma source(%dma_start3A_36 : memref<100000x1024xf32, #tpu.memory_space<hbm>>) target(%arg6 : memref<32x1024xf32, #tpu.memory_space<vmem>>) offsets(%dma_start3A_33 : memref<32xi32, #tpu.memory_space<vmem>>) semaphore(%arg8 : memref<!tpu.dma_semaphore, #tpu.memory_space<semaphore_mem>>)
    %add3A_37 = arith.constant 128 : i32
    %add3A_38 = arith.addi %mul3A_32, %add3A_37 : i32
    "tpu.region"() ({
      %run_scoped3A = tpu.sem_alloc : memref<!tpu.dma_semaphore, #tpu.memory_space<semaphore_mem>>
      %dma_start3A_59 = arith.constant 128 : i32
      %dma_start3A_60 = tpu.memref_slice %arg5[%dma_start3A_59] : memref<256xi32, #tpu.memory_space<vmem>> -> memref<128xi32, #tpu.memory_space<vmem>>
      %dma_start3A_61 = tpu.memref_slice %arg2[%select_n3A, %add3A_38] : memref<4x2048xi32, #tpu.memory_space<hbm>> -> memref<1x128xi32, #tpu.memory_space<hbm>>
      %dma_start3A_62 = tpu.memref_squeeze %dma_start3A_61 : memref<1x128xi32, #tpu.memory_space<hbm>> -> memref<128xi32, #tpu.memory_space<hbm>>
      %dma_start3A_63 = arith.constant 128 : i32
      %dma_start3A_64 = tpu.memref_slice %arg5[%dma_start3A_63] : memref<256xi32, #tpu.memory_space<vmem>> -> memref<128xi32, #tpu.memory_space<vmem>>
      %dma_start3A_65 = tpu.memref_slice %arg2[%select_n3A, %add3A_38] : memref<4x2048xi32, #tpu.memory_space<hbm>> -> memref<1x128xi32, #tpu.memory_space<hbm>>
      %dma_start3A_66 = tpu.memref_squeeze %dma_start3A_65 : memref<1x128xi32, #tpu.memory_space<hbm>> -> memref<128xi32, #tpu.memory_space<hbm>>
      tpu.enqueue_dma source(%dma_start3A_66 : memref<128xi32, #tpu.memory_space<hbm>>) target(%dma_start3A_64 : memref<128xi32, #tpu.memory_space<vmem>>) target_semaphore(%run_scoped3A : memref<!tpu.dma_semaphore, #tpu.memory_space<semaphore_mem>>)
      %dma_wait3A_67 = arith.constant 128 : i32
      %dma_wait3A_68 = tpu.memref_slice %arg5[%dma_wait3A_67] : memref<256xi32, #tpu.memory_space<vmem>> -> memref<128xi32, #tpu.memory_space<vmem>>
      %dma_wait3A_69 = tpu.memref_slice %arg2[%select_n3A, %add3A_38] : memref<4x2048xi32, #tpu.memory_space<hbm>> -> memref<1x128xi32, #tpu.memory_space<hbm>>
      %dma_wait3A_70 = tpu.memref_squeeze %dma_wait3A_69 : memref<1x128xi32, #tpu.memory_space<hbm>> -> memref<128xi32, #tpu.memory_space<hbm>>
      %dma_wait3A_71 = arith.constant 128 : i32
      %dma_wait3A_72 = tpu.memref_slice %arg5[%dma_wait3A_71] : memref<256xi32, #tpu.memory_space<vmem>> -> memref<128xi32, #tpu.memory_space<vmem>>
      %dma_wait3A_73 = tpu.memref_slice %arg2[%select_n3A, %add3A_38] : memref<4x2048xi32, #tpu.memory_space<hbm>> -> memref<1x128xi32, #tpu.memory_space<hbm>>
      %dma_wait3A_74 = tpu.memref_squeeze %dma_wait3A_73 : memref<1x128xi32, #tpu.memory_space<hbm>> -> memref<128xi32, #tpu.memory_space<hbm>>
      tpu.wait_dma2 semaphore(%run_scoped3A : memref<!tpu.dma_semaphore, #tpu.memory_space<semaphore_mem>>) src(%dma_wait3A_74 : memref<128xi32, #tpu.memory_space<hbm>>) dst(%dma_wait3A_72 : memref<128xi32, #tpu.memory_space<vmem>>)
      tpu.yield
    }) : () -> ()
    %dma_start3A_39 = arith.constant 32 : i32
    %dma_start3A_40 = tpu.memref_slice %arg5[%dma_start3A_39] : memref<256xi32, #tpu.memory_space<vmem>> -> memref<32xi32, #tpu.memory_space<vmem>>
    %dma_start3A_41 = arith.constant 0 : i32
    %dma_start3A_42 = arith.constant 0 : i32
    %dma_start3A_43 = tpu.memref_slice %arg3[%dma_start3A_41, %dma_start3A_42] : memref<100000x1024xf32, #tpu.memory_space<hbm>> -> memref<100000x1024xf32, #tpu.memory_space<hbm>>
    tpu.enqueue_indirect_dma source(%dma_start3A_43 : memref<100000x1024xf32, #tpu.memory_space<hbm>>) target(%arg7 : memref<32x1024xf32, #tpu.memory_space<vmem>>) offsets(%dma_start3A_40 : memref<32xi32, #tpu.memory_space<vmem>>) semaphore(%arg8 : memref<!tpu.dma_semaphore, #tpu.memory_space<semaphore_mem>>)
    %scan3A = arith.constant 0 : i32
    %scan3A_44 = arith.constant 4 : i32
    %scan3A_45 = arith.addi %scan3A, %scan3A_44 : i32
    %scan3A_46 = arith.constant 1 : i32
    scf.for %scan3A_59 = %scan3A to %scan3A_45 step %scan3A_46  : i32 {
      %mul3A_60 = arith.constant 1 : i32
      %mul3A_61 = arith.muli %scan3A_59, %mul3A_60 : i32
      %add3A_62 = arith.constant 0 : i32
      %add3A_63 = arith.addi %add3A_62, %mul3A_61 : i32
      %mul3A_64 = arith.constant 2 : i32
      %mul3A_65 = arith.muli %add3A_63, %mul3A_64 : i32
      %add3A_66 = arith.constant 0 : i32
      %add3A_67 = arith.addi %mul3A_65, %add3A_66 : i32
      %dma_wait3A_68 = arith.constant 0 : i32
      %dma_wait3A_69 = tpu.memref_slice %arg5[%dma_wait3A_68] : memref<256xi32, #tpu.memory_space<vmem>> -> memref<32xi32, #tpu.memory_space<vmem>>
      %dma_wait3A_70 = arith.constant 0 : i32
      %dma_wait3A_71 = arith.constant 0 : i32
      %dma_wait3A_72 = tpu.memref_slice %arg3[%dma_wait3A_70, %dma_wait3A_71] : memref<100000x1024xf32, #tpu.memory_space<hbm>> -> memref<100000x1024xf32, #tpu.memory_space<hbm>>
      tpu.wait_indirect_dma semaphore(%arg8 : memref<!tpu.dma_semaphore, #tpu.memory_space<semaphore_mem>>) src(%dma_wait3A_72 : memref<100000x1024xf32, #tpu.memory_space<hbm>>) dst(%arg6 : memref<32x1024xf32, #tpu.memory_space<vmem>>)
      %mul3A_73 = arith.constant 32 : i32
      %mul3A_74 = arith.muli %add3A_67, %mul3A_73 : i32
      %add3A_75 = arith.addi %mul3A_32, %mul3A_74 : i32
      %dma_start3A_76 = arith.constant 0 : i32
      %dma_start3A_77 = tpu.memref_slice %arg4[%select_n3A, %add3A_75, %dma_start3A_76] : memref<4x2048x1024xf32, #tpu.memory_space<hbm>> -> memref<1x32x1024xf32, #tpu.memory_space<hbm>>
      %dma_start3A_78 = tpu.memref_squeeze %dma_start3A_77 : memref<1x32x1024xf32, #tpu.memory_space<hbm>> -> memref<32x1024xf32, #tpu.memory_space<hbm>>
      %dma_start3A_79 = arith.constant 0 : i32
      %dma_start3A_80 = tpu.memref_slice %arg4[%select_n3A, %add3A_75, %dma_start3A_79] : memref<4x2048x1024xf32, #tpu.memory_space<hbm>> -> memref<1x32x1024xf32, #tpu.memory_space<hbm>>
      %dma_start3A_81 = tpu.memref_squeeze %dma_start3A_80 : memref<1x32x1024xf32, #tpu.memory_space<hbm>> -> memref<32x1024xf32, #tpu.memory_space<hbm>>
      tpu.enqueue_dma source(%arg6 : memref<32x1024xf32, #tpu.memory_space<vmem>>) target(%dma_start3A_81 : memref<32x1024xf32, #tpu.memory_space<hbm>>) target_semaphore(%arg9 : memref<!tpu.dma_semaphore, #tpu.memory_space<semaphore_mem>>)
      %lt3A_82 = arith.constant 3 : i32
      %lt3A_83 = arith.cmpi slt, %add3A_63, %lt3A_82 : i32
      %convert_element_type3A = arith.extui %lt3A_83 : i1 to i32
      %cond3A = arith.constant 0 : i32
      %cond3A_84 = arith.cmpi ne, %convert_element_type3A, %cond3A : i32
      scf.if %cond3A_84 {
        %dma_wait3A_108 = arith.constant 0 : i32
        %dma_wait3A_109 = tpu.memref_slice %arg4[%select_n3A, %mul3A_32, %dma_wait3A_108] : memref<4x2048x1024xf32, #tpu.memory_space<hbm>> -> memref<1x32x1024xf32, #tpu.memory_space<hbm>>
        %dma_wait3A_110 = tpu.memref_squeeze %dma_wait3A_109 : memref<1x32x1024xf32, #tpu.memory_space<hbm>> -> memref<32x1024xf32, #tpu.memory_space<hbm>>
        %dma_wait3A_111 = arith.constant 0 : i32
        %dma_wait3A_112 = tpu.memref_slice %arg4[%select_n3A, %mul3A_32, %dma_wait3A_111] : memref<4x2048x1024xf32, #tpu.memory_space<hbm>> -> memref<1x32x1024xf32, #tpu.memory_space<hbm>>
        %dma_wait3A_113 = tpu.memref_squeeze %dma_wait3A_112 : memref<1x32x1024xf32, #tpu.memory_space<hbm>> -> memref<32x1024xf32, #tpu.memory_space<hbm>>
        tpu.wait_dma2 semaphore(%arg9 : memref<!tpu.dma_semaphore, #tpu.memory_space<semaphore_mem>>) src(%arg6 : memref<32x1024xf32, #tpu.memory_space<vmem>>) dst(%dma_wait3A_113 : memref<32x1024xf32, #tpu.memory_space<hbm>>)
        %add3A_114 = arith.constant 2 : i32
        %add3A_115 = arith.addi %add3A_67, %add3A_114 : i32
        %mul3A_116 = arith.constant 32 : i32
        %mul3A_117 = arith.muli %add3A_115, %mul3A_116 : i32
        %dma_start3A_118 = tpu.memref_slice %arg5[%mul3A_117] : memref<256xi32, #tpu.memory_space<vmem>> -> memref<32xi32, #tpu.memory_space<vmem>>
        %dma_start3A_119 = arith.constant 0 : i32
        %dma_start3A_120 = arith.constant 0 : i32
        %dma_start3A_121 = tpu.memref_slice %arg3[%dma_start3A_119, %dma_start3A_120] : memref<100000x1024xf32, #tpu.memory_space<hbm>> -> memref<100000x1024xf32, #tpu.memory_space<hbm>>
        tpu.enqueue_indirect_dma source(%dma_start3A_121 : memref<100000x1024xf32, #tpu.memory_space<hbm>>) target(%arg6 : memref<32x1024xf32, #tpu.memory_space<vmem>>) offsets(%dma_start3A_118 : memref<32xi32, #tpu.memory_space<vmem>>) semaphore(%arg8 : memref<!tpu.dma_semaphore, #tpu.memory_space<semaphore_mem>>)
      } else {
      }
      %mul3A_85 = arith.constant 2 : i32
      %mul3A_86 = arith.muli %add3A_63, %mul3A_85 : i32
      %add3A_87 = arith.constant 1 : i32
      %add3A_88 = arith.addi %mul3A_86, %add3A_87 : i32
      %dma_wait3A_89 = arith.constant 0 : i32
      %dma_wait3A_90 = tpu.memref_slice %arg5[%dma_wait3A_89] : memref<256xi32, #tpu.memory_space<vmem>> -> memref<32xi32, #tpu.memory_space<vmem>>
      %dma_wait3A_91 = arith.constant 0 : i32
      %dma_wait3A_92 = arith.constant 0 : i32
      %dma_wait3A_93 = tpu.memref_slice %arg3[%dma_wait3A_91, %dma_wait3A_92] : memref<100000x1024xf32, #tpu.memory_space<hbm>> -> memref<100000x1024xf32, #tpu.memory_space<hbm>>
      tpu.wait_indirect_dma semaphore(%arg8 : memref<!tpu.dma_semaphore, #tpu.memory_space<semaphore_mem>>) src(%dma_wait3A_93 : memref<100000x1024xf32, #tpu.memory_space<hbm>>) dst(%arg7 : memref<32x1024xf32, #tpu.memory_space<vmem>>)
      %mul3A_94 = arith.constant 32 : i32
      %mul3A_95 = arith.muli %add3A_88, %mul3A_94 : i32
      %add3A_96 = arith.addi %mul3A_32, %mul3A_95 : i32
      %dma_start3A_97 = arith.constant 0 : i32
      %dma_start3A_98 = tpu.memref_slice %arg4[%select_n3A, %add3A_96, %dma_start3A_97] : memref<4x2048x1024xf32, #tpu.memory_space<hbm>> -> memref<1x32x1024xf32, #tpu.memory_space<hbm>>
      %dma_start3A_99 = tpu.memref_squeeze %dma_start3A_98 : memref<1x32x1024xf32, #tpu.memory_space<hbm>> -> memref<32x1024xf32, #tpu.memory_space<hbm>>
      %dma_start3A_100 = arith.constant 0 : i32
      %dma_start3A_101 = tpu.memref_slice %arg4[%select_n3A, %add3A_96, %dma_start3A_100] : memref<4x2048x1024xf32, #tpu.memory_space<hbm>> -> memref<1x32x1024xf32, #tpu.memory_space<hbm>>
      %dma_start3A_102 = tpu.memref_squeeze %dma_start3A_101 : memref<1x32x1024xf32, #tpu.memory_space<hbm>> -> memref<32x1024xf32, #tpu.memory_space<hbm>>
      tpu.enqueue_dma source(%arg7 : memref<32x1024xf32, #tpu.memory_space<vmem>>) target(%dma_start3A_102 : memref<32x1024xf32, #tpu.memory_space<hbm>>) target_semaphore(%arg9 : memref<!tpu.dma_semaphore, #tpu.memory_space<semaphore_mem>>)
      %lt3A_103 = arith.constant 3 : i32
      %lt3A_104 = arith.cmpi slt, %add3A_63, %lt3A_103 : i32
      %convert_element_type3A_105 = arith.extui %lt3A_104 : i1 to i32
      %cond3A_106 = arith.constant 0 : i32
      %cond3A_107 = arith.cmpi ne, %convert_element_type3A_105, %cond3A_106 : i32
      scf.if %cond3A_107 {
        %dma_wait3A_108 = arith.constant 0 : i32
        %dma_wait3A_109 = tpu.memref_slice %arg4[%select_n3A, %mul3A_32, %dma_wait3A_108] : memref<4x2048x1024xf32, #tpu.memory_space<hbm>> -> memref<1x32x1024xf32, #tpu.memory_space<hbm>>
        %dma_wait3A_110 = tpu.memref_squeeze %dma_wait3A_109 : memref<1x32x1024xf32, #tpu.memory_space<hbm>> -> memref<32x1024xf32, #tpu.memory_space<hbm>>
        %dma_wait3A_111 = arith.constant 0 : i32
        %dma_wait3A_112 = tpu.memref_slice %arg4[%select_n3A, %mul3A_32, %dma_wait3A_111] : memref<4x2048x1024xf32, #tpu.memory_space<hbm>> -> memref<1x32x1024xf32, #tpu.memory_space<hbm>>
        %dma_wait3A_113 = tpu.memref_squeeze %dma_wait3A_112 : memref<1x32x1024xf32, #tpu.memory_space<hbm>> -> memref<32x1024xf32, #tpu.memory_space<hbm>>
        tpu.wait_dma2 semaphore(%arg9 : memref<!tpu.dma_semaphore, #tpu.memory_space<semaphore_mem>>) src(%arg7 : memref<32x1024xf32, #tpu.memory_space<vmem>>) dst(%dma_wait3A_113 : memref<32x1024xf32, #tpu.memory_space<hbm>>)
        %add3A_114 = arith.constant 2 : i32
        %add3A_115 = arith.addi %add3A_88, %add3A_114 : i32
        %mul3A_116 = arith.constant 32 : i32
        %mul3A_117 = arith.muli %add3A_115, %mul3A_116 : i32
        %dma_start3A_118 = tpu.memref_slice %arg5[%mul3A_117] : memref<256xi32, #tpu.memory_space<vmem>> -> memref<32xi32, #tpu.memory_space<vmem>>
        %dma_start3A_119 = arith.constant 0 : i32
        %dma_start3A_120 = arith.constant 0 : i32
        %dma_start3A_121 = tpu.memref_slice %arg3[%dma_start3A_119, %dma_start3A_120] : memref<100000x1024xf32, #tpu.memory_space<hbm>> -> memref<100000x1024xf32, #tpu.memory_space<hbm>>
        tpu.enqueue_indirect_dma source(%dma_start3A_121 : memref<100000x1024xf32, #tpu.memory_space<hbm>>) target(%arg7 : memref<32x1024xf32, #tpu.memory_space<vmem>>) offsets(%dma_start3A_118 : memref<32xi32, #tpu.memory_space<vmem>>) semaphore(%arg8 : memref<!tpu.dma_semaphore, #tpu.memory_space<semaphore_mem>>)
      } else {
      }
    }
    %scan3A_47 = arith.constant 4 : i32
    %dma_wait3A = arith.constant 0 : i32
    %dma_wait3A_48 = tpu.memref_slice %arg4[%select_n3A, %mul3A_32, %dma_wait3A] : memref<4x2048x1024xf32, #tpu.memory_space<hbm>> -> memref<1x32x1024xf32, #tpu.memory_space<hbm>>
    %dma_wait3A_49 = tpu.memref_squeeze %dma_wait3A_48 : memref<1x32x1024xf32, #tpu.memory_space<hbm>> -> memref<32x1024xf32, #tpu.memory_space<hbm>>
    %dma_wait3A_50 = arith.constant 0 : i32
    %dma_wait3A_51 = tpu.memref_slice %arg4[%select_n3A, %mul3A_32, %dma_wait3A_50] : memref<4x2048x1024xf32, #tpu.memory_space<hbm>> -> memref<1x32x1024xf32, #tpu.memory_space<hbm>>
    %dma_wait3A_52 = tpu.memref_squeeze %dma_wait3A_51 : memref<1x32x1024xf32, #tpu.memory_space<hbm>> -> memref<32x1024xf32, #tpu.memory_space<hbm>>
    tpu.wait_dma2 semaphore(%arg9 : memref<!tpu.dma_semaphore, #tpu.memory_space<semaphore_mem>>) src(%arg6 : memref<32x1024xf32, #tpu.memory_space<vmem>>) dst(%dma_wait3A_52 : memref<32x1024xf32, #tpu.memory_space<hbm>>)
    %dma_wait3A_53 = arith.constant 0 : i32
    %dma_wait3A_54 = tpu.memref_slice %arg4[%select_n3A, %mul3A_32, %dma_wait3A_53] : memref<4x2048x1024xf32, #tpu.memory_space<hbm>> -> memref<1x32x1024xf32, #tpu.memory_space<hbm>>
    %dma_wait3A_55 = tpu.memref_squeeze %dma_wait3A_54 : memref<1x32x1024xf32, #tpu.memory_space<hbm>> -> memref<32x1024xf32, #tpu.memory_space<hbm>>
    %dma_wait3A_56 = arith.constant 0 : i32
    %dma_wait3A_57 = tpu.memref_slice %arg4[%select_n3A, %mul3A_32, %dma_wait3A_56] : memref<4x2048x1024xf32, #tpu.memory_space<hbm>> -> memref<1x32x1024xf32, #tpu.memory_space<hbm>>
    %dma_wait3A_58 = tpu.memref_squeeze %dma_wait3A_57 : memref<1x32x1024xf32, #tpu.memory_space<hbm>> -> memref<32x1024xf32, #tpu.memory_space<hbm>>
    tpu.wait_dma2 semaphore(%arg9 : memref<!tpu.dma_semaphore, #tpu.memory_space<semaphore_mem>>) src(%arg7 : memref<32x1024xf32, #tpu.memory_space<vmem>>) dst(%dma_wait3A_58 : memref<32x1024xf32, #tpu.memory_space<hbm>>)
    return
  }
}

</mosaic_0001>

<sc_bundles>
// kernel: _embedding_lookup.3.cloned.1.call-start
scs
__scs_entry_jumppad:
0x0: {  	(pc) =	sbr.rel $0x88, $3  }
0x1: {  	(tag) =	ssettag $0x0;
	lr =	simm.s32 $0x1  }
0x2: {  	[smem:$0x3F9F] =	sst lr;
	_ =	strace $0xD0000000  }
0x3: {  	_ = 	snop  }
0x4: {  	_ = 	snop  }
0x5: {  	_ = 	snop  }
0x6: {  	_ = 	snop  }
0x7: {  	_ = 	snop  }
__scs_overlays_trampoline_lowered:
0x8: {  	[smem:$0x3FAE] =	sst s0  }
0x9: {  	[smem:$0x3FAF] =	sst s1  }
0xa: {  	[smem:$0x3FB0] =	sst s2  }
0xb: {  	[smem:$0x3FB1] =	sst s3  }
0xc: {  	[smem:$0x3FB2] =	sst s4  }
0xd: {  	[smem:$0x3FB3] =	sst s5  }
0xe: {  	[smem:$0x3FB4] =	sst s6  }
0xf: {  	[smem:$0x3FB5] =	sst s7  }
0x10: {  	[smem:$0x3FB6] =	sst s8  }
0x11: {  	[smem:$0x3FB7] =	sst s9;
	s0 =	simm.s32 @!p0 $0x0  }
0x12: {  	s1 =	sld [smem:$0x3F9D];
	s0 =	simm.s32 @p0 $0x1  }
0x13: {  	[smem:$0x3FB8] =	sst s0;
	s0 =	simm.s32 @!p1 $0x0  }
0x14: {  	s2 =	sld [smem:$0x3F9C];
	s0 =	simm.s32 @p1 $0x1  }
0x15: {  	[smem:$0x3FB9] =	sst s0;
	s0 =	simm.s32 @!p2 $0x0  }
0x16: {  	s3 =	sld [smem:$0x3FDB];
	s0 =	simm.s32 @p2 $0x1  }
0x17: {  	s4 =	simm.s32 $0x1BF5;
	[smem:$0x3FBB] =	sst s0  }
0x18: {  	s0 =	sld [smem:$0x3F9E];
	_ =	swait.ge [sflag:s4], $0x0  }
0x19: {  	s7 =	sld [smem:$0x3F9F]  }
0x1a: {  	s8 =	sadd.s32 $0xFFFFE003, lr  }
0x1b: {  	s9 =	sadd.s32 $0xFFFFFEF7, lr;
	s5 =	simm.s32 $0xFFFFFFFF;
	p2 =	slt.u32 s8, $0xFFFFF086  }
0x1c: {  	p1 =	slt.u32 s9, $0xF7A;
	s5 =	simm.s32 @!p2 $0x0  }
0x1d: {  	s5 =	simm.s32 @p1 $0x1;
	p0 =	seq.s32 s7, s2  }
0x1e: {  	s7 =	smul.u32 @!p0 $0xF7A, s2;
	p2 =	seq.s32 @!p0 s5, $0x0  }
0x1f: {  	s9 =	smul.u32 $0xF7A, s1;
	s8 =	simm.s32 @!p0 $0x1BF5;
	p2 =	por !p2, p0  }
0x20: {  	[sflag:s8] =	ssyncset.s32 @!p0 $0xFFFFF086;
	s6 =	sadd.s32 @!p0 s3, s7;
	s7 =	simm.s32 @!p0 $0x108  }
0x21: {  	s3 =	sadd.s32 s3, s9;
	s6 =	sadd.s32 @!p0 $0x88, s6;
	s7 =	simm.s32 @p2 $0x1082  }
0x22: {  	[simem:s7], [sflag:s8] =	dma.local @!p0 [hbm:s6], $0xF7A  }
0x23: {  	s9 =	sor.u32 $0xD0000000, s2;
	s6 =	simm.s32 $0x108;
	_ =	swait.ge @!p0 [sflag:s8], $0x0  }
0x24: {  	s3 =	sadd.s32 $0x88, s3;
	s6 =	simm.s32 @!p1 $0x1082;
	[sflag:s4] =	ssyncset.s32 $0xFFFFF086  }
0x25: {  	[simem:s6], [sflag:s4] =	dma.local [hbm:s3], $0xF7A  }
0x26: {  	[smem:$0x3F9F] =	sst s1;
	(tag) =	ssettag s2;
	_ =	strace s9  }
0x27: {  	s1 =	sld [smem:$0x3FAF]  }
0x28: {  	s2 =	sld [smem:$0x3FB0]  }
0x29: {  	s4 =	sld [smem:$0x3FB2]  }
0x2a: {  	p0 =	seq.s32 s5, $0x0;
	s5 =	sld [smem:$0x3FB3]  }
0x2b: {  	s6 =	sld [smem:$0x3FB4]  }
0x2c: {  	s7 =	sld [smem:$0x3FB5]  }
0x2d: {  	s3 =	simm.s32 $0x108;
	s8 =	sld [smem:$0x3FB6]  }
0x2e: {  	s3 =	simm.s32 @!p0 $0x1082;
	s9 =	sld [smem:$0x3FB7]  }
0x2f: {  	lr =	sadd.s32 s0, s3;
	s0 =	sld [smem:$0x3FAE]  }
0x30: {  	s3 =	sld [smem:$0x3FB1]  }
0x31: {  	[smem:$0x3FBA] =	sst s10  }
0x32: {  	s10 =	sld [smem:$0x3FB8];
	_ =	sdelay $0x3  }
0x33: {  	p0 =	seq.s32 s10, $0x1;
	s10 =	sld [smem:$0x3FBA];
	_ =	sdelay $0x3  }
0x34: {  	[smem:$0x3FBA] =	sst s10  }
0x35: {  	s10 =	sld [smem:$0x3FB9];
	_ =	sdelay $0x3  }
0x36: {  	p1 =	seq.s32 s10, $0x1;
	s10 =	sld [smem:$0x3FBA];
	_ =	sdelay $0x3  }
0x37: {  	[smem:$0x3FBA] =	sst s10  }
0x38: {  	s10 =	sld [smem:$0x3FBB]  }
0x39: {  	_ = 	snop;
	(pc) =	sbr.ind lr, $3  }
0x3a: {  	_ = 	snop  }
0x3b: {  	_ = 	snop  }
0x3c: {  	p2 =	seq.s32 s10, $0x1;
	s10 =	sld [smem:$0x3FBA]  }
0x3d: {  	_ =	shalt  }
0x3e: {  	_ =	shalt  }
0x3f: {  	_ =	shalt  }
0x40: {  	_ =	shalt  }
0x41: {  	_ =	shalt  }
0x42: {  	_ =	shalt  }
0x43: {  	_ =	shalt  }
0x44: {  	_ =	shalt  }
0x45: {  	_ =	shalt  }
0x46: {  	_ =	shalt  }
0x47: {  	_ =	shalt  }
0x48: {  	_ =	shalt  }
0x49: {  	_ =	shalt  }
0x4a: {  	_ =	shalt  }
0x4b: {  	_ =	shalt  }
0x4c: {  	_ =	shalt  }
0x4d: {  	_ =	shalt  }
0x4e: {  	_ =	shalt  }
0x4f: {  	_ =	shalt  }
0x50: {  	_ =	shalt  }
0x51: {  	_ =	shalt  }
0x52: {  	_ =	shalt  }
0x53: {  	_ =	shalt  }
0x54: {  	_ =	shalt  }
0x55: {  	_ =	shalt  }
0x56: {  	_ =	shalt  }
0x57: {  	_ =	shalt  }
0x58: {  	_ =	shalt  }
0x59: {  	_ =	shalt  }
0x5a: {  	_ =	shalt  }
0x5b: {  	_ =	shalt  }
0x5c: {  	_ =	shalt  }
0x5d: {  	_ =	shalt  }
0x5e: {  	_ =	shalt  }
0x5f: {  	_ =	shalt  }
0x60: {  	_ =	shalt  }
0x61: {  	_ =	shalt  }
0x62: {  	_ =	shalt  }
0x63: {  	_ =	shalt  }
0x64: {  	_ =	shalt  }
0x65: {  	_ =	shalt  }
0x66: {  	_ =	shalt  }
0x67: {  	_ =	shalt  }
0x68: {  	_ =	shalt  }
0x69: {  	_ =	shalt  }
0x6a: {  	_ =	shalt  }
0x6b: {  	_ =	shalt  }
0x6c: {  	_ =	shalt  }
0x6d: {  	_ =	shalt  }
0x6e: {  	_ =	shalt  }
0x6f: {  	_ =	shalt  }
0x70: {  	_ =	shalt  }
0x71: {  	_ =	shalt  }
0x72: {  	_ =	shalt  }
0x73: {  	_ =	shalt  }
0x74: {  	_ =	shalt  }
0x75: {  	_ =	shalt  }
0x76: {  	_ =	shalt  }
0x77: {  	_ =	shalt  }
0x78: {  	_ =	shalt  }
0x79: {  	_ =	shalt  }
0x7a: {  	_ =	shalt  }
0x7b: {  	_ =	shalt  }
0x7c: {  	_ =	shalt  }
0x7d: {  	_ =	shalt  }
0x7e: {  	_ =	shalt  }
0x7f: {  	_ =	shalt  }
0x80: {  	_ =	shalt  }
0x81: {  	_ =	shalt  }
0x82: {  	_ =	shalt  }
0x83: {  	_ =	shalt  }
0x84: {  	_ =	shalt  }
0x85: {  	_ =	shalt  }
0x86: {  	_ =	shalt  }
0x87: {  	_ =	shalt  }
.Lfunc_end0:
.L_simem_size_0:
called_computation_lowered:
.L_overlay_start_0:
0x88: {  	s2 =	sld [smem:$0x3FD9]  }
0x89: {  	s3 =	sld [smem:$0x3FFE];
	_ =	sdelay $0x1  }
0x8a: {  	s1 =	srdreg.scid  }
0x8b: {  	s0 =	sand.u32 $0x1, s1  }
0x8c: {  	s18 =	sshll.u32 s0, $0xA;
	s2 =	sadd.s32 s3, s2  }
0x8d: {  	s2 =	sadd.s32 s2, s18  }
0x8e: {  	[smem:$0x3FC6] =	sst s2  }
0x8f: {  	_ = 	snop  }
0x90: {  	s2 =	sld [smem:$0x3FC9]  }
0x91: {  	s19 =	sld [smem:$0x3FC8]  }
0x92: {  	s4 =	sld [smem:$0x3FD0];
	(tm) =	ssettm $0x1  }
0x93: {  	s5 =	sld [smem:$0x3FFB];
	_ =	sdelay $0x3  }
0x94: {  	_ =	strace s5  }
0x95: {  	s5 =	sld [smem:$0x3FFC];
	_ =	sdelay $0x3  }
0x96: {  	_ =	strace s5  }
0x97: {  	s5 =	sld [smem:$0x3FFD];
	_ =	sdelay $0x3  }
0x98: {  	_ =	strace s5  }
0x99: {  	_ =	strace $0x8FFFFFFF  }
0x9a: {  	s20 =	sld [smem:$0x3FDB];
	_ =	sdelay $0x1  }
0x9b: {  	s6 =	simm.s32 $_scs_section_size  }
0x9c: {  	s7 =	simm.s32 $_size__tile_overlayer_lowered;
	s8 =	simm.s32 $_tile_overlayer_lowered  }
0x9d: {  	s23 =	simm.s32 $0x1BFF;
	s22 =	sshll.u32 s8, $0x1;
	s5 =	sadd.s32 s6, s20  }
0x9e: {  	s9 =	simm.s32 $0x0;
	s21 =	sshll.u32 s7, $0x1;
	s7 =	sadd.s32 s22, s5  }
0x9f: {  	[timem:s9], [sflag:s23] =	dma.local [hbm:s7], s21  }
0xa0: {  	_ =	swait.ge [sflag:s23], s21  }
0xa1: {  	s6 =	ssub.s32 $0x0, s21;
	[sflag:s23] =	ssyncset.done $0x0  }
0xa2: {  	[sflag:s23] =	ssyncadd.s32 s6;
	_ =	sdelay $0x1  }
0xa3: {  	s24 =	simm.s32 $0x1B8B  }
0xa4: {  	_ =	swait.ge [sflag:s24], $0x1  }
0xa5: {  	[sflag:s24] =	ssyncset.done $0x0  }
0xa6: {  	s25 =	simm.s32 $0x1B8E;
	[sflag:s24] =	ssyncadd.s32 $0xFFFFFFFF  }
0xa7: {  	s26 =	simm.s32 $execute0_lowered;
	[smem:$0x3FD2] =	sst s25  }
0xa8: {  	s6 =	sshll.u32 s26, $0x1;
	_ =	strace $0x80000046;
	[dreg:$0x1] =	wrdreg $0xFFFFFFFF  }
0xa9: {  	s28 =	simm.s32 $_size_execute0_lowered;
	s5 =	sadd.s32 s5, s6;
	[dreg:$0x0] =	wrdreg $0x0  }
0xaa: {  	s6 =	sshll.u32 s28, $0x1;
	[dreg:$0x2] =	wrdreg s5  }
0xab: {  	[dreg:$0x3] =	wrdreg s6  }
0xac: {  	[dreg:$0x4] =	wrdreg $0xC0  }
0xad: {  	_ =	task [dreg:s9], $0x5FFFF  }
0xae: {  	[dreg:$0x1] =	wrdreg $0xFFFFFFFF  }
0xaf: {  	[dreg:$0x0] =	wrdreg $0x60  }
0xb0: {  	[dreg:$0x2] =	wrdreg s2  }
0xb1: {  	[dreg:$0x3] =	wrdreg s19  }
0xb2: {  	[dreg:$0x4] =	wrdreg s4  }
0xb3: {  	[dreg:$0x5] =	wrdreg $0x9  }
0xb4: {  	_ =	task.clear_ibuf [dreg:s9], $0x6FFFF;
	_ =	strace $0x90000046  }
0xb5: {  	s29 =	simm.s32 $0x9;
	_ =	strace $0x80000048  }
0xb6: {  	_ =	swait.ge [sflag:s29], $0x1  }
0xb7: {  	[sflag:s29] =	ssyncadd.s32 $0xFFFFFFFF  }
0xb8: {  	_ =	strace $0x90000048  }
0xb9: {  	_ =	sfence  }
0xba: {  	s30 =	sld [smem:$0x0];
	_ =	sdelay $0x2  }
0xbb: {  	s31 =	sshll.u32 s1, $0xD;
	s1 =	sshrl.u32 s1, $0x2  }
0xbc: {  	s3 =	sand.u32 $0x4000, s31;
	s1 =	sadd.s32 s1, s30  }
0xbd: {  	s0 =	sor.u32 s3, s0;
	s1 =	sshll.u32 s1, $0x11  }
0xbe: {  	s0 =	sor.u32 s1, s0  }
0xbf: {  	s0 =	sadd.s32 $0x8F2B, s0  }
0xc0: {  	[sflag:s0] =	ssyncadd.remote.s32 $0x1  }
0xc1: {  	_ =	sfence.sel $0xFFFF  }
0xc2: {  	[dreg:$0x0] =	wrdreg $0xFFFFFFFF;
	(pc) =	sbr.abs _section_cstart, $3  }
0xc3: {  	[dreg:$0x1] =	wrdreg $0xFFFFFFFF  }
0xc4: {  	_ =	task.clear_ibuf [dreg:s9], $0x2FFFF;
	_ =	strace $0x9FFFFFFF  }
0xc5: {  	(tm) =	ssettm $0x7FFFFFFF  }
tec
execute0_lowered:
.L_overlay_start_1:
0x0: {  	(tag) =	ssettag $0x1  }
0x1: {  	s0 =	rddreg [dreg:$0x0]  }
0x2: {  	s2 =	rddreg [dreg:$0x1]  }
0x3: {  	s1 =	rddreg [dreg:$0x2]  }
0x4: {  	s11 =	stileid.u32;
	s4 =	srdreg.scid;
	s3 =	simm.s32 $0x0  }
0x5: {  	s13 =	simm.s32 $0x100;
	s31 =	simm.s32 $0x8100;
	s14 =	simm.s32 $0x7900  }
0x6: {  	s15 =	simm.s32 $0x8900;
	s16 =	simm.s32 $0x9100;
	s28 =	simm.s32 $0xC100  }
0x7: {  	s29 =	simm.s32 $0xC900;
	s30 =	simm.s32 $0xE100;
	s5 =	sshll.u32 s11, $0x1  }
0x8: {  	s4 =	sand.u32 $0x1, s4;
	[smem:$0x7FF] =	sst s3;
	s8 =	sshrl.u32 s11, $0x2  }
0x9: {  	s19 =	sand.u32 $0x3, s11;
	s11 =	simm.s32 $0x6900;
	s5 =	sand.u32 $0x6, s5  }
0xa: {  	s6 =	ssub.s32 $0x2, s4;
	s9 =	sshll.u32 s8, $0x4;
	_ =	strace $0x80000047  }
0xb: {  	s8 =	sshll.u32 s8, $0x15;
	s5 =	sor.u32 s4, s5;
	s10 =	sshrl.u32 s6, $0x1  }
0xc: {  	s4 =	sshll.u32 s4, $0x12;
	s7 =	sshll.u32 s5, $0x7;
	s17 =	ssub.s32 s6, s10  }
0xd: {  	s18 =	sshll.u32 s5, $0x12;
	s5 =	sadd.s32 $0x100, s2;
	s6 =	sadd.s32 $0x200, s2  }
0xe: {  	s7 =	sor.u32 s9, s7;
	s10 =	sor.u32 s8, s18;
	s22 =	smax.u32 s17, $0x1  }
0xf: {  	s17 =	simm.s32 $0x9900;
	s18 =	simm.s32 $0xA100;
	s9 =	simm.s32 $0xF900  }
0x10: {  	s12 =	sadd.s32 s0, s7;
	s7 =	sadd.s32 $0x300, s2;
	s0 =	sshll.u32 s19, $0x13  }
0x11: {  	s21 =	sor.u32 $0x8000, s10;
	[dreg:$0x8] =	wrdreg s22;
	s26 =	sshrl.u32 s10, $0x3  }
0x12: {  	s10 =	simm.s32 $0x6100;
	s19 =	simm.s32 $0xA900;
	s0 =	sor.u32 s0, s8  }
0x13: {  	[dreg:$0x6] =	wrdreg s12;
	s20 =	sadd.s32 $0x40, s12;
	s23 =	sshrl.u32 s21, $0x3  }
0x14: {  	s21 =	simm.s32 $0x2;
	s12 =	simm.s32 $0x7100;
	[dreg:$0x7] =	wrdreg s20  }
0x15: {  	s0 =	sor.u32 s4, s0;
	s4 =	sadd.s32 s23, s1;
	s20 =	simm.s32 $0x1  }
0x16: {  	s24 =	sor.u32 $0x8000, s0;
	s0 =	sor.u32 $0x10000, s0;
	s4 =	sadd.s32 $0x6000, s4  }
0x17: {  	s8 =	sshrl.u32 s24, $0x3;
	[dreg:$0x9] =	wrdreg s4;
	s0 =	sshrl.u32 s0, $0x3  }
0x18: {  	s24 =	simm.s32 $0x900;
	s4 =	simm.s32 $0xE900;
	s25 =	sadd.s32 s8, s1  }
0x19: {  	v2 =	vlaneseq.u32;
	s0 =	sadd.s32 s0, s1;
	s1 =	sadd.s32 s1, s26;
	[dreg:$0x4] =	wrdreg s25  }
0x1a: {  	vm0 =	vmmov $0xffff;
	v1 =	vshrl.u32 v2, $0x3;
	s26 =	simm.s32 $0xB900;
	s8 =	simm.s32 $0xF100;
	[dreg:$0xa] =	wrdreg s1  }
0x1b: {  	v0 =	vand.u32 $0x7, v2;
	v2 =	vor.u32 $0x8, v2;
	v1 =	vmul.u32 $0x8, v1;
	[dreg:$0x5] =	wrdreg s0;
	s0 =	simm.s32 $0x0;
	s25 =	simm.s32 $0xB100  }
.LBB2_1:
0x1c: {  	[dreg:$0xb] =	wrdreg s0  }
0x1d: {  	s22 =	rddreg [dreg:$0x6];
	s1 =	simm.s32 $0x3  }
0x1e: {  	[tilespmem:s3], [sflag:$0x3] =	stream.linear.gather [hbm4b:s22+s3], $0x80, $0x38;
	[tilespmem:$0x10100] =	vst v63  }
0x1f: {  	_ =	swait.ge [sflag:s1], $0x80  }
0x20: {  	[sflag:s1] =	ssyncset.done $0x0  }
0x21: {  	[sflag:s1] =	ssyncadd.s32 $0xFFFFFF80  }
0x22: {  	v3 =	vld [tilespmem:$0x0];
	_ =	sdelay $0x4  }
0x23: {  	v4 =	vshll.u32 v3, $0x3  }
0x24: {  	v3 =	vand.u32 $0x7, v3;
	v4 =	vand.u32 $0xFFFFFFC0, v4  }
0x25: {  	v3 =	vor.u32 v3, v4  }
0x26: {  	v4 =	vperm.xlane v3, v0;
	_ =	sdelay $0x1  }
0x27: {  	v4 =	vadd.s32 v1, v4;
	_ =	sdelay $0x4  }
0x28: {  	[tilespmem:s13], [sflag:$0x1] =	stream.indirect_vreg.gather [hbm4b:s2+s3], $0x80, v4, vm0, $0xb8;
	[tilespmem:$0x10100] =	vst v63  }
0x29: {  	v3 =	vperm.xlane v3, v2  }
0x2a: {  	[tilespmem:s24], [sflag:$0x1] =	stream.indirect_vreg.gather [hbm4b:s5+s3], $0x80, v4, vm0, $0xb8;
	[tilespmem:$0x10100] =	vst v63  }
0x2b: {  	s22 =	simm.s32 $0x1100;
	v3 =	vadd.s32 v1, v3  }
0x2c: {  	[tilespmem:s22], [sflag:$0x1] =	stream.indirect_vreg.gather [hbm4b:s6+s3], $0x80, v4, vm0, $0xb8;
	[tilespmem:$0x10100] =	vst v63  }
0x2d: {  	s23 =	simm.s32 $0x1900  }
0x2e: {  	[tilespmem:s23], [sflag:$0x1] =	stream.indirect_vreg.gather [hbm4b:s7+s3], $0x80, v4, vm0, $0xb8;
	[tilespmem:$0x10100] =	vst v63  }
0x2f: {  	s22 =	simm.s32 $0x2100  }
0x30: {  	[tilespmem:s22], [sflag:$0x1] =	stream.indirect_vreg.gather [hbm4b:s2+s3], $0x80, v3, vm0, $0xb8;
	[tilespmem:$0x10100] =	vst v63  }
0x31: {  	s23 =	simm.s32 $0x2900  }
0x32: {  	[tilespmem:s23], [sflag:$0x1] =	stream.indirect_vreg.gather [hbm4b:s5+s3], $0x80, v3, vm0, $0xb8;
	[tilespmem:$0x10100] =	vst v63  }
0x33: {  	s22 =	simm.s32 $0x3100  }
0x34: {  	[tilespmem:s22], [sflag:$0x1] =	stream.indirect_vreg.gather [hbm4b:s6+s3], $0x80, v3, vm0, $0xb8;
	[tilespmem:$0x10100] =	vst v63  }
0x35: {  	s23 =	simm.s32 $0x3900  }
0x36: {  	[tilespmem:s23], [sflag:$0x1] =	stream.indirect_vreg.gather [hbm4b:s7+s3], $0x80, v3, vm0, $0xb8;
	[tilespmem:$0x10100] =	vst v63  }
0x37: {  	v3 =	vld [tilespmem:$0x10];
	_ =	sdelay $0x4  }
0x38: {  	v61 =	vshll.u32 v3, $0x3  }
0x39: {  	v3 =	vand.u32 $0x7, v3;
	v4 =	vand.u32 $0xFFFFFFC0, v61  }
0x3a: {  	v3 =	vor.u32 v3, v4  }
0x3b: {  	v4 =	vperm.xlane v3, v0;
	_ =	sdelay $0x1  }
0x3c: {  	v4 =	vadd.s32 v1, v4;
	_ =	sdelay $0x3  }
0x3d: {  	s22 =	simm.s32 $0x4100  }
0x3e: {  	[tilespmem:s22], [sflag:$0x1] =	stream.indirect_vreg.gather [hbm4b:s2+s3], $0x80, v4, vm0, $0xb8;
	[tilespmem:$0x10100] =	vst v63  }
0x3f: {  	s23 =	simm.s32 $0x4900;
	v3 =	vperm.xlane v3, v2  }
0x40: {  	[tilespmem:s23], [sflag:$0x1] =	stream.indirect_vreg.gather [hbm4b:s5+s3], $0x80, v4, vm0, $0xb8;
	[tilespmem:$0x10100] =	vst v63  }
0x41: {  	v3 =	vadd.s32 v1, v3;
	s22 =	simm.s32 $0x5100  }
0x42: {  	[tilespmem:s22], [sflag:$0x1] =	stream.indirect_vreg.gather [hbm4b:s6+s3], $0x80, v4, vm0, $0xb8;
	[tilespmem:$0x10100] =	vst v63  }
0x43: {  	s23 =	simm.s32 $0x5900  }
0x44: {  	[tilespmem:s23], [sflag:$0x1] =	stream.indirect_vreg.gather [hbm4b:s7+s3], $0x80, v4, vm0, $0xb8;
	[tilespmem:$0x10100] =	vst v63  }
0x45: {  	_ = 	snop  }
0x46: {  	[tilespmem:s10], [sflag:$0x1] =	stream.indirect_vreg.gather [hbm4b:s2+s3], $0x80, v3, vm0, $0xb8;
	[tilespmem:$0x10100] =	vst v63  }
0x47: {  	_ = 	snop  }
0x48: {  	[tilespmem:s11], [sflag:$0x1] =	stream.indirect_vreg.gather [hbm4b:s5+s3], $0x80, v3, vm0, $0xb8;
	[tilespmem:$0x10100] =	vst v63  }
0x49: {  	_ = 	snop  }
0x4a: {  	[tilespmem:s12], [sflag:$0x1] =	stream.indirect_vreg.gather [hbm4b:s6+s3], $0x80, v3, vm0, $0xb8;
	[tilespmem:$0x10100] =	vst v63  }
0x4b: {  	_ = 	snop  }
0x4c: {  	[tilespmem:s14], [sflag:$0x1] =	stream.indirect_vreg.gather [hbm4b:s7+s3], $0x80, v3, vm0, $0xb8;
	[tilespmem:$0x10100] =	vst v63  }
0x4d: {  	s0 =	rddreg [dreg:$0x7];
	s23 =	simm.s32 $0x80  }
0x4e: {  	[tilespmem:s23], [sflag:$0x3] =	stream.linear.gather [hbm4b:s0+s3], $0x80, $0x38;
	[tilespmem:$0x10100] =	vst v63  }
0x4f: {  	_ =	swait.ge [sflag:s1], $0x80  }
0x50: {  	[sflag:s1] =	ssyncset.done $0x0  }
0x51: {  	[sflag:s1] =	ssyncadd.s32 $0xFFFFFF80  }
0x52: {  	v3 =	vld [tilespmem:$0x20];
	_ =	sdelay $0x4  }
0x53: {  	v62 =	vshll.u32 v3, $0x3  }
0x54: {  	v3 =	vand.u32 $0x7, v3;
	v4 =	vand.u32 $0xFFFFFFC0, v62  }
0x55: {  	v3 =	vor.u32 v3, v4  }
0x56: {  	v4 =	vperm.xlane v3, v0;
	_ =	sdelay $0x1  }
0x57: {  	v4 =	vadd.s32 v1, v4;
	_ =	sdelay $0x4  }
0x58: {  	[tilespmem:s31], [sflag:$0x1] =	stream.indirect_vreg.gather [hbm4b:s2+s3], $0x80, v4, vm0, $0xb8;
	[tilespmem:$0x10100] =	vst v63  }
0x59: {  	v3 =	vperm.xlane v3, v2  }
0x5a: {  	[tilespmem:s15], [sflag:$0x1] =	stream.indirect_vreg.gather [hbm4b:s5+s3], $0x80, v4, vm0, $0xb8;
	[tilespmem:$0x10100] =	vst v63  }
0x5b: {  	v3 =	vadd.s32 v1, v3  }
0x5c: {  	[tilespmem:s16], [sflag:$0x1] =	stream.indirect_vreg.gather [hbm4b:s6+s3], $0x80, v4, vm0, $0xb8;
	[tilespmem:$0x10100] =	vst v63  }
0x5d: {  	_ = 	snop  }
0x5e: {  	[tilespmem:s17], [sflag:$0x1] =	stream.indirect_vreg.gather [hbm4b:s7+s3], $0x80, v4, vm0, $0xb8;
	[tilespmem:$0x10100] =	vst v63  }
0x5f: {  	_ = 	snop  }
0x60: {  	[tilespmem:s18], [sflag:$0x1] =	stream.indirect_vreg.gather [hbm4b:s2+s3], $0x80, v3, vm0, $0xb8;
	[tilespmem:$0x10100] =	vst v63  }
0x61: {  	_ = 	snop  }
0x62: {  	[tilespmem:s19], [sflag:$0x1] =	stream.indirect_vreg.gather [hbm4b:s5+s3], $0x80, v3, vm0, $0xb8;
	[tilespmem:$0x10100] =	vst v63  }
0x63: {  	_ = 	snop  }
0x64: {  	[tilespmem:s25], [sflag:$0x1] =	stream.indirect_vreg.gather [hbm4b:s6+s3], $0x80, v3, vm0, $0xb8;
	[tilespmem:$0x10100] =	vst v63  }
0x65: {  	_ = 	snop  }
0x66: {  	[tilespmem:s26], [sflag:$0x1] =	stream.indirect_vreg.gather [hbm4b:s7+s3], $0x80, v3, vm0, $0xb8;
	[tilespmem:$0x10100] =	vst v63  }
0x67: {  	v3 =	vld [tilespmem:$0x30];
	_ =	sdelay $0x4  }
0x68: {  	v63 =	vshll.u32 v3, $0x3  }
0x69: {  	v3 =	vand.u32 $0x7, v3;
	v4 =	vand.u32 $0xFFFFFFC0, v63  }
0x6a: {  	v3 =	vor.u32 v3, v4  }
0x6b: {  	v4 =	vperm.xlane v3, v0;
	_ =	sdelay $0x1  }
0x6c: {  	v4 =	vadd.s32 v1, v4;
	_ =	sdelay $0x4  }
0x6d: {  	[tilespmem:s28], [sflag:$0x1] =	stream.indirect_vreg.gather [hbm4b:s2+s3], $0x80, v4, vm0, $0xb8;
	[tilespmem:$0x10100] =	vst v63  }
0x6e: {  	v3 =	vperm.xlane v3, v2  }
0x6f: {  	[tilespmem:s29], [sflag:$0x1] =	stream.indirect_vreg.gather [hbm4b:s5+s3], $0x80, v4, vm0, $0xb8;
	[tilespmem:$0x10100] =	vst v63  }
0x70: {  	s0 =	simm.s32 $0xD100;
	v3 =	vadd.s32 v1, v3  }
0x71: {  	[tilespmem:s0], [sflag:$0x1] =	stream.indirect_vreg.gather [hbm4b:s6+s3], $0x80, v4, vm0, $0xb8;
	[tilespmem:$0x10100] =	vst v63  }
0x72: {  	s1 =	simm.s32 $0xD900  }
0x73: {  	[tilespmem:s1], [sflag:$0x1] =	stream.indirect_vreg.gather [hbm4b:s7+s3], $0x80, v4, vm0, $0xb8;
	[tilespmem:$0x10100] =	vst v63  }
0x74: {  	_ = 	snop  }
0x75: {  	[tilespmem:s30], [sflag:$0x1] =	stream.indirect_vreg.gather [hbm4b:s2+s3], $0x80, v3, vm0, $0xb8;
	[tilespmem:$0x10100] =	vst v63  }
0x76: {  	_ = 	snop  }
0x77: {  	[tilespmem:s4], [sflag:$0x1] =	stream.indirect_vreg.gather [hbm4b:s5+s3], $0x80, v3, vm0, $0xb8;
	[tilespmem:$0x10100] =	vst v63  }
0x78: {  	_ = 	snop  }
0x79: {  	[tilespmem:s8], [sflag:$0x1] =	stream.indirect_vreg.gather [hbm4b:s6+s3], $0x80, v3, vm0, $0xb8;
	[tilespmem:$0x10100] =	vst v63  }
0x7a: {  	_ = 	snop  }
0x7b: {  	[tilespmem:s9], [sflag:$0x1] =	stream.indirect_vreg.gather [hbm4b:s7+s3], $0x80, v3, vm0, $0xb8;
	[tilespmem:$0x10100] =	vst v63  }
0x7c: {  	_ =	swait.ge [sflag:s20], $0x8000  }
0x7d: {  	[sflag:s20] =	ssyncset.done $0x0  }
0x7e: {  	s23 =	rddreg [dreg:$0xa];
	[sflag:s20] =	ssyncadd.s32 $0xFFFF8000  }
0x7f: {  	[hbm4b:s23+s3] =	stream.linear.scatter [tilespmem:s13], [sflag:$0x2], $0x8000, $0x38;
	[tilespmem:$0x10100] =	vst v63  }
0x80: {  	s22 =	simm.s32 $0x70;
	s23 =	simm.s32 $0x0  }
.LBB2_2:
0x81: {  	_ =	swait.ge [sflag:s21], $0x8000  }
0x82: {  	[sflag:s21] =	ssyncset.done $0x0  }
0x83: {  	[sflag:s21] =	ssyncadd.s32 $0xFFFF8000  }
0x84: {  	v3 =	vld [tilespmem:s22+$0xFFFFFFD0];
	_ =	sdelay $0x4  }
0x85: {  	v4 =	vshll.u32 v3, $0x3  }
0x86: {  	v3 =	vand.u32 $0x7, v3;
	v4 =	vand.u32 $0xFFFFFFC0, v4  }
0x87: {  	v3 =	vor.u32 v3, v4  }
0x88: {  	v4 =	vperm.xlane v3, v0;
	_ =	sdelay $0x1  }
0x89: {  	v4 =	vadd.s32 v1, v4;
	_ =	sdelay $0x4  }
0x8a: {  	[tilespmem:s13], [sflag:$0x1] =	stream.indirect_vreg.gather [hbm4b:s2+s3], $0x80, v4, vm0, $0xb8;
	[tilespmem:$0x10100] =	vst v63  }
0x8b: {  	v3 =	vperm.xlane v3, v2  }
0x8c: {  	[tilespmem:s24], [sflag:$0x1] =	stream.indirect_vreg.gather [hbm4b:s5+s3], $0x80, v4, vm0, $0xb8;
	[tilespmem:$0x10100] =	vst v63  }
0x8d: {  	v3 =	vadd.s32 v1, v3;
	s24 =	simm.s32 $0x1100  }
0x8e: {  	[tilespmem:s24], [sflag:$0x1] =	stream.indirect_vreg.gather [hbm4b:s6+s3], $0x80, v4, vm0, $0xb8;
	[tilespmem:$0x10100] =	vst v63  }
0x8f: {  	s24 =	simm.s32 $0x1900  }
0x90: {  	[tilespmem:s24], [sflag:$0x1] =	stream.indirect_vreg.gather [hbm4b:s7+s3], $0x80, v4, vm0, $0xb8;
	[tilespmem:$0x10100] =	vst v63  }
0x91: {  	s24 =	simm.s32 $0x2100  }
0x92: {  	[tilespmem:s24], [sflag:$0x1] =	stream.indirect_vreg.gather [hbm4b:s2+s3], $0x80, v3, vm0, $0xb8;
	[tilespmem:$0x10100] =	vst v63  }
0x93: {  	s24 =	simm.s32 $0x2900  }
0x94: {  	[tilespmem:s24], [sflag:$0x1] =	stream.indirect_vreg.gather [hbm4b:s5+s3], $0x80, v3, vm0, $0xb8;
	[tilespmem:$0x10100] =	vst v63  }
0x95: {  	s24 =	simm.s32 $0x3100  }
0x96: {  	[tilespmem:s24], [sflag:$0x1] =	stream.indirect_vreg.gather [hbm4b:s6+s3], $0x80, v3, vm0, $0xb8;
	[tilespmem:$0x10100] =	vst v63  }
0x97: {  	s24 =	simm.s32 $0x3900  }
0x98: {  	[tilespmem:s24], [sflag:$0x1] =	stream.indirect_vreg.gather [hbm4b:s7+s3], $0x80, v3, vm0, $0xb8;
	[tilespmem:$0x10100] =	vst v63  }
0x99: {  	v3 =	vld [tilespmem:s22+$0xFFFFFFE0];
	_ =	sdelay $0x4  }
0x9a: {  	v61 =	vshll.u32 v3, $0x3  }
0x9b: {  	v3 =	vand.u32 $0x7, v3;
	v4 =	vand.u32 $0xFFFFFFC0, v61  }
0x9c: {  	v3 =	vor.u32 v3, v4  }
0x9d: {  	v4 =	vperm.xlane v3, v0;
	_ =	sdelay $0x1  }
0x9e: {  	v4 =	vadd.s32 v1, v4;
	_ =	sdelay $0x3  }
0x9f: {  	s24 =	simm.s32 $0x4100  }
0xa0: {  	[tilespmem:s24], [sflag:$0x1] =	stream.indirect_vreg.gather [hbm4b:s2+s3], $0x80, v4, vm0, $0xb8;
	[tilespmem:$0x10100] =	vst v63  }
0xa1: {  	v3 =	vperm.xlane v3, v2;
	s24 =	simm.s32 $0x4900  }
0xa2: {  	[tilespmem:s24], [sflag:$0x1] =	stream.indirect_vreg.gather [hbm4b:s5+s3], $0x80, v4, vm0, $0xb8;
	[tilespmem:$0x10100] =	vst v63  }
0xa3: {  	v3 =	vadd.s32 v1, v3;
	s24 =	simm.s32 $0x5100  }
0xa4: {  	[tilespmem:s24], [sflag:$0x1] =	stream.indirect_vreg.gather [hbm4b:s6+s3], $0x80, v4, vm0, $0xb8;
	[tilespmem:$0x10100] =	vst v63  }
0xa5: {  	s24 =	simm.s32 $0x5900  }
0xa6: {  	[tilespmem:s24], [sflag:$0x1] =	stream.indirect_vreg.gather [hbm4b:s7+s3], $0x80, v4, vm0, $0xb8;
	[tilespmem:$0x10100] =	vst v63  }
0xa7: {  	_ = 	snop  }
0xa8: {  	[tilespmem:s10], [sflag:$0x1] =	stream.indirect_vreg.gather [hbm4b:s2+s3], $0x80, v3, vm0, $0xb8;
	[tilespmem:$0x10100] =	vst v63  }
0xa9: {  	_ = 	snop  }
0xaa: {  	[tilespmem:s11], [sflag:$0x1] =	stream.indirect_vreg.gather [hbm4b:s5+s3], $0x80, v3, vm0, $0xb8;
	[tilespmem:$0x10100] =	vst v63  }
0xab: {  	_ = 	snop  }
0xac: {  	[tilespmem:s12], [sflag:$0x1] =	stream.indirect_vreg.gather [hbm4b:s6+s3], $0x80, v3, vm0, $0xb8;
	[tilespmem:$0x10100] =	vst v63  }
0xad: {  	_ = 	snop  }
0xae: {  	[tilespmem:s14], [sflag:$0x1] =	stream.indirect_vreg.gather [hbm4b:s7+s3], $0x80, v3, vm0, $0xb8;
	[tilespmem:$0x10100] =	vst v63  }
0xaf: {  	_ =	swait.ge [sflag:s20], $0x8000  }
0xb0: {  	s24 =	rddreg [dreg:$0x4];
	[sflag:s20] =	ssyncset.done $0x0  }
0xb1: {  	[sflag:s20] =	ssyncadd.s32 $0xFFFF8000;
	s24 =	sadd.s32 s23, s24  }
0xb2: {  	[hbm4b:s24+s3] =	stream.linear.scatter [tilespmem:s31], [sflag:$0x2], $0x8000, $0x38;
	[tilespmem:$0x10100] =	vst v63  }
0xb3: {  	_ =	swait.ge [sflag:s21], $0x8000  }
0xb4: {  	[sflag:s21] =	ssyncset.done $0x0  }
0xb5: {  	[sflag:s21] =	ssyncadd.s32 $0xFFFF8000  }
0xb6: {  	v3 =	vld [tilespmem:s22+$0xFFFFFFF0];
	_ =	sdelay $0x4  }
0xb7: {  	v62 =	vshll.u32 v3, $0x3  }
0xb8: {  	v3 =	vand.u32 $0x7, v3;
	v4 =	vand.u32 $0xFFFFFFC0, v62  }
0xb9: {  	v3 =	vor.u32 v3, v4  }
0xba: {  	v4 =	vperm.xlane v3, v0;
	_ =	sdelay $0x1  }
0xbb: {  	v4 =	vadd.s32 v1, v4;
	_ =	sdelay $0x4  }
0xbc: {  	[tilespmem:s31], [sflag:$0x1] =	stream.indirect_vreg.gather [hbm4b:s2+s3], $0x80, v4, vm0, $0xb8;
	[tilespmem:$0x10100] =	vst v63  }
0xbd: {  	v3 =	vperm.xlane v3, v2  }
0xbe: {  	[tilespmem:s15], [sflag:$0x1] =	stream.indirect_vreg.gather [hbm4b:s5+s3], $0x80, v4, vm0, $0xb8;
	[tilespmem:$0x10100] =	vst v63  }
0xbf: {  	v3 =	vadd.s32 v1, v3  }
0xc0: {  	[tilespmem:s16], [sflag:$0x1] =	stream.indirect_vreg.gather [hbm4b:s6+s3], $0x80, v4, vm0, $0xb8;
	[tilespmem:$0x10100] =	vst v63  }
0xc1: {  	_ = 	snop  }
0xc2: {  	[tilespmem:s17], [sflag:$0x1] =	stream.indirect_vreg.gather [hbm4b:s7+s3], $0x80, v4, vm0, $0xb8;
	[tilespmem:$0x10100] =	vst v63  }
0xc3: {  	_ = 	snop  }
0xc4: {  	[tilespmem:s18], [sflag:$0x1] =	stream.indirect_vreg.gather [hbm4b:s2+s3], $0x80, v3, vm0, $0xb8;
	[tilespmem:$0x10100] =	vst v63  }
0xc5: {  	_ = 	snop  }
0xc6: {  	[tilespmem:s19], [sflag:$0x1] =	stream.indirect_vreg.gather [hbm4b:s5+s3], $0x80, v3, vm0, $0xb8;
	[tilespmem:$0x10100] =	vst v63  }
0xc7: {  	_ = 	snop  }
0xc8: {  	[tilespmem:s25], [sflag:$0x1] =	stream.indirect_vreg.gather [hbm4b:s6+s3], $0x80, v3, vm0, $0xb8;
	[tilespmem:$0x10100] =	vst v63  }
0xc9: {  	_ = 	snop  }
0xca: {  	[tilespmem:s26], [sflag:$0x1] =	stream.indirect_vreg.gather [hbm4b:s7+s3], $0x80, v3, vm0, $0xb8;
	[tilespmem:$0x10100] =	vst v63  }
0xcb: {  	v3 =	vld [tilespmem:s22+$0x0];
	_ =	sdelay $0x4  }
0xcc: {  	v63 =	vshll.u32 v3, $0x3  }
0xcd: {  	v3 =	vand.u32 $0x7, v3;
	v4 =	vand.u32 $0xFFFFFFC0, v63  }
0xce: {  	v3 =	vor.u32 v3, v4  }
0xcf: {  	v4 =	vperm.xlane v3, v0;
	_ =	sdelay $0x1  }
0xd0: {  	v4 =	vadd.s32 v1, v4;
	_ =	sdelay $0x4  }
0xd1: {  	[tilespmem:s28], [sflag:$0x1] =	stream.indirect_vreg.gather [hbm4b:s2+s3], $0x80, v4, vm0, $0xb8;
	[tilespmem:$0x10100] =	vst v63  }
0xd2: {  	v3 =	vperm.xlane v3, v2  }
0xd3: {  	[tilespmem:s29], [sflag:$0x1] =	stream.indirect_vreg.gather [hbm4b:s5+s3], $0x80, v4, vm0, $0xb8;
	[tilespmem:$0x10100] =	vst v63  }
0xd4: {  	v3 =	vadd.s32 v1, v3  }
0xd5: {  	[tilespmem:s0], [sflag:$0x1] =	stream.indirect_vreg.gather [hbm4b:s6+s3], $0x80, v4, vm0, $0xb8;
	[tilespmem:$0x10100] =	vst v63  }
0xd6: {  	_ = 	snop  }
0xd7: {  	[tilespmem:s1], [sflag:$0x1] =	stream.indirect_vreg.gather [hbm4b:s7+s3], $0x80, v4, vm0, $0xb8;
	[tilespmem:$0x10100] =	vst v63  }
0xd8: {  	_ = 	snop  }
0xd9: {  	[tilespmem:s30], [sflag:$0x1] =	stream.indirect_vreg.gather [hbm4b:s2+s3], $0x80, v3, vm0, $0xb8;
	[tilespmem:$0x10100] =	vst v63  }
0xda: {  	_ = 	snop  }
0xdb: {  	[tilespmem:s4], [sflag:$0x1] =	stream.indirect_vreg.gather [hbm4b:s5+s3], $0x80, v3, vm0, $0xb8;
	[tilespmem:$0x10100] =	vst v63  }
0xdc: {  	_ = 	snop  }
0xdd: {  	[tilespmem:s8], [sflag:$0x1] =	stream.indirect_vreg.gather [hbm4b:s6+s3], $0x80, v3, vm0, $0xb8;
	[tilespmem:$0x10100] =	vst v63  }
0xde: {  	p0 =	sne.s32 s23, $0x4000  }
0xdf: {  	[tilespmem:s9], [sflag:$0x1] =	stream.indirect_vreg.gather [hbm4b:s7+s3], $0x80, v3, vm0, $0xb8;
	[tilespmem:$0x10100] =	vst v63  }
.Ltmp0:
0xe0: {  	_ =	swait.ge [sflag:s20], $0x8000;
	(pc) =	sbr.rel @p0 .LBB2_2-.Ltmp0, $4  }
0xe1: {  	s24 =	rddreg [dreg:$0x5];
	[sflag:s20] =	ssyncset.done $0x0  }
0xe2: {  	[sflag:s20] =	ssyncadd.s32 $0xFFFF8000;
	s24 =	sadd.s32 s23, s24  }
0xe3: {  	[hbm4b:s24+s3] =	stream.linear.scatter [tilespmem:s13], [sflag:$0x2], $0x8000, $0x38;
	[tilespmem:$0x10100] =	vst v63  }
0xe4: {  	s22 =	sadd.s32 $0x40, s22;
	s23 =	sadd.s32 $0x2000, s23;
	s24 =	simm.s32 $0x900  }
0xe5: {  	_ =	swait.ge [sflag:s20], $0x8000  }
0xe6: {  	[sflag:s20] =	ssyncset.done $0x0  }
0xe7: {  	s22 =	rddreg [dreg:$0x9];
	[sflag:s20] =	ssyncadd.s32 $0xFFFF8000  }
0xe8: {  	[hbm4b:s22+s3] =	stream.linear.scatter [tilespmem:s31], [sflag:$0x2], $0x8000, $0x38;
	[tilespmem:$0x10100] =	vst v63  }
0xe9: {  	_ =	swait.ge [sflag:s21], $0x8000  }
0xea: {  	[sflag:s21] =	ssyncset.done $0x0  }
0xeb: {  	[sflag:s21] =	ssyncadd.s32 $0xFFFF8000  }
0xec: {  	_ =	swait.ge [sflag:s21], $0x8000  }
0xed: {  	s0 =	rddreg [dreg:$0xb]  }
0xee: {  	s23 =	rddreg [dreg:$0x8];
	s0 =	sadd.s32 $0x1, s0  }
0xef: {  	p0 =	sne.s32 s0, s23  }
.Ltmp1:
0xf0: {  	_ = 	snop;
	(pc) =	sbr.rel @p0 .LBB2_1-.Ltmp1, $3  }
0xf1: {  	_ =	sdelay $0x1  }
0xf2: {  	[sflag:s21] =	ssyncset.done $0x0  }
0xf3: {  	[sflag:s21] =	ssyncadd.s32 $0xFFFF8000  }
0xf4: {  	_ =	sfence.sel $0x180000  }
0xf5: {  	[bflag:$0x0] =	sbarrier.arrive $0xFFFF  }
0xf6: {  	_ =	strace $0x90000047  }
0xf7: {  	s0 =	stileid.u32;
	[bflag:$0x2] =	sbarrier.arrive $0xFFFF  }
0xf8: {  	p0 =	sne.s32 s0, $0x0;
	s0 =	rddreg [dreg:$0x3]  }
0xf9: {  	s0 =	sadd.s32 @!p0 $0x100000, s0  }
0xfa: {  	[sflag:s0] =	ssyncadd.tile.s32 @!p0 $0x1;
	_ =	shalt  }
.Lfunc_end2:
_tile_overlayer_lowered:
.L_overlay_start_2:
0xfb: {  	(tag) =	ssettag $0x2  }
0xfc: {  	s0 =	rddreg [dreg:$0x0];
	s2 =	stileid.u32  }
0xfd: {  	s1 =	rddreg [dreg:$0x1];
	p0 =	sne.s32 s2, $0x0  }
0xfe: {  	s3 =	rddreg [dreg:$0x2];
	[bflag:$0x3] =	sbarrier.arrive $0xFFFF;
	s2 =	simm.s32 @!p0 $0x1C03  }
0xff: {  	[timem:s3], [sflag:s2] =	dma.local @!p0 [hbm:s0], s1  }
0x100: {  	s0 =	simm.s32 @!p0 $0x3  }
0x101: {  	_ =	swait.ge @!p0 [sflag:s0], s1  }
0x102: {  	s1 =	ssub.s32 @!p0 $0x0, s1;
	[sflag:s0] =	ssyncset.done @!p0 $0x0  }
0x103: {  	[sflag:s0] =	ssyncadd.s32 @!p0 s1  }
0x104: {  	[bflag:$0x3] =	sbarrier.arrive $0xFFFF  }
0x105: {  	_ =	shalt  }

</sc_bundles>
